<compile_context>
chip_gen: v7x
topology: tpu7x:2x2x1
jax: 0.10.2.dev20260603
libtpu: 0.0.44.dev20260713+nightly
codegen_flags: <defaults>
</compile_context>

<pallas_src>
import functools

import jax
import jax.numpy as jnp
from jax import lax
from jax.experimental import pallas as pl
from jax.experimental.pallas import tpu as pltpu
from jax.experimental.pallas import tpu_sc as plsc

_BATCH = 256
_NUM_SYM = 14
_FFT = 4096
_PILOT_SYM = 2
_NUM_DATA_SYM = _NUM_SYM - 1

_info = plsc.get_sparse_core_info()
_NC = _info.num_cores
_NS = _info.num_subcores
_NW = _NC * _NS
_ROWS = _BATCH // _NW

_mesh = plsc.VectorSubcoreMesh(core_axis_name="c", subcore_axis_name="s")


@functools.partial(
    pl.kernel,
    mesh=_mesh,
    out_type=jax.ShapeDtypeStruct((_BATCH, _NUM_SYM, 1, _FFT), jnp.float32),
    scratch_types=[
        pltpu.VMEM((1, _FFT), jnp.float32),
        pltpu.SemaphoreType.DMA,
        pltpu.SemaphoreType.DMA,
    ],
)
def _scatter_pilots(pilots_hbm, out_hbm, buf, in_sem, out_sem):
    wid = lax.axis_index("s") * _NC + lax.axis_index("c")
    base = wid * _ROWS
    pltpu.async_copy(pilots_hbm, buf, in_sem).wait()
    outs = [
        pltpu.async_copy(buf, out_hbm.at[base + r, _PILOT_SYM], out_sem)
        for r in range(_ROWS)
    ]
    for c in outs:
        c.wait()


_TC_BT = 256


def _assemble_body(data_ref, tmpl_ref, out_ref):
    del tmpl_ref
    out_ref[...] = data_ref[...]


def _assemble_grid(data, template):
    return pl.pallas_call(
        _assemble_body,
        grid=(_BATCH // _TC_BT, _NUM_DATA_SYM),
        in_specs=[
            pl.BlockSpec((_TC_BT, 1, 1, _FFT), lambda i, j: (i, j, 0, 0)),
            pl.BlockSpec(memory_space=pl.ANY),
        ],
        out_specs=pl.BlockSpec(
            (_TC_BT, 1, 1, _FFT),
            lambda i, j: (i, jnp.where(j < _PILOT_SYM, j, j + 1), 0, 0),
        ),
        out_shape=jax.ShapeDtypeStruct(
            (_BATCH, _NUM_SYM, 1, _FFT), jnp.float32),
        input_output_aliases={1: 0},
    )(data, template)


def kernel(inputs, pilots, pilot_ind, data_ind):
    batch = inputs.shape[0]
    data = inputs.reshape(batch, _NUM_DATA_SYM, 1, _FFT)
    template = _scatter_pilots(pilots.reshape(1, _FFT))
    out = _assemble_grid(data, template)
    return out.reshape(batch, 1, 1, _NUM_SYM, _FFT)

# --- scband reference (transcript-rebuilt; emitter-appended) ---
"""Pipeline reference for scband-resource-grid-mapper-59734405152816 (READ-ONLY COPY).

The authoritative reference and input builder live on the scoring server;
editing this copy changes nothing except your own understanding.
"""

import jax, jax.numpy as jnp
import numpy as np

BATCH = 256
NUM_TX = 1
NUM_STREAMS = 1
NUM_OFDM_SYMBOLS = 14
FFT_SIZE = 4096
GRID_SIZE = NUM_OFDM_SYMBOLS * FFT_SIZE
PILOT_SYMBOL = 2
NUM_PILOTS = FFT_SIZE
NUM_DATA = GRID_SIZE - NUM_PILOTS


def setup_inputs(seed: int = 0) -> dict:
    key = jax.random.key(seed)
    k1, k2 = jax.random.split(key)
    # Modulated data symbols: [batch, num_tx, num_streams_per_tx, num_data_symbols]
    inputs = jax.random.normal(k1, (BATCH, NUM_TX, NUM_STREAMS, NUM_DATA), dtype=jnp.float32)
    # Pilot symbols (learned/configured parameter of the resource grid's pilot pattern),
    # flattened over (num_tx, num_streams, num_pilots) as in flatten_last_dims(pilots, 3).
    pilots = jax.random.normal(k2, (NUM_PILOTS,), dtype=jnp.float32)
    # build_type_grid(): 1 = pilot RE, 0 = data RE. Pilots occupy one full OFDM symbol.
    rg_type = np.zeros(GRID_SIZE, dtype=np.int32)
    rg_type[PILOT_SYMBOL * FFT_SIZE:(PILOT_SYMBOL + 1) * FFT_SIZE] = 1
    pilot_ind = jnp.asarray(np.where(rg_type == 1)[0], dtype=jnp.int32)
    data_ind = jnp.asarray(np.where(rg_type == 0)[0], dtype=jnp.int32)
    return {"inputs": inputs, "pilots": pilots, "pilot_ind": pilot_ind, "data_ind": data_ind}


def reference(inputs, pilots, pilot_ind, data_ind):
    batch = inputs.shape[0]
    # flatten_last_dims(inputs, 3)
    data = inputs.reshape(batch, -1)
    # template = scatter(zeros, pilot_ind, pilots)
    template = jnp.zeros((GRID_SIZE,), dtype=jnp.float32).at[pilot_ind].set(pilots)
    # repeat over batch
    template = jnp.tile(template[None, :], (batch, 1))
    # scatter data symbols into the data positions (scatter-overwrite)
    rg = template.at[:, data_ind].set(data)
    return rg.reshape(batch, NUM_TX, NUM_STREAMS, NUM_OFDM_SYMBOLS, FFT_SIZE)

if __name__ == "__main__":
    import jax
    _d = setup_inputs()
    print(jax.jit(kernel)(*tuple(_d.values())))

</pallas_src>

<mosaic_0001>
#map = affine_map<(d0, d1) -> (0, 0)>
#map1 = affine_map<(d0, d1) -> (0, 0, 0, 0)>
module attributes {stable_mosaic.version = 14 : i64} {
  func.func @_scatter_pilots(%arg0: i32, %arg1: i32, %arg2: memref<1x4096xf32, #tpu.memory_space<hbm>>, %arg3: memref<256x14x1x4096xf32, #tpu.memory_space<hbm>>, %arg4: memref<1x4096xf32, #tpu.memory_space<vmem>>, %arg5: memref<!tpu.dma_semaphore, #tpu.memory_space<semaphore_mem>>, %arg6: memref<!tpu.dma_semaphore, #tpu.memory_space<semaphore_mem>>) attributes {dimension_semantics = [#tpu.dimension_semantics<core_parallel>, #tpu.dimension_semantics<subcore_parallel>], iteration_bounds = array<i64: 2, 16>, scalar_prefetch = 0 : i64, scratch_operands = 3 : i64, tpu.core_type = #tpu.core_type<sc_vector_subcore>, window_params = [{transform_indices = #map}, {transform_indices = #map1}]} {
    %mul3A = arith.constant 2 : i32
    %mul3A_0 = arith.muli %arg1, %mul3A : i32
    %add3A = arith.addi %mul3A_0, %arg0 : i32
    %mul3A_1 = arith.constant 8 : i32
    %mul3A_2 = arith.muli %add3A, %mul3A_1 : i32
    tpu.enqueue_dma source(%arg2 : memref<1x4096xf32, #tpu.memory_space<hbm>>) target(%arg4 : memref<1x4096xf32, #tpu.memory_space<vmem>>) target_semaphore(%arg5 : memref<!tpu.dma_semaphore, #tpu.memory_space<semaphore_mem>>)
    tpu.wait_dma2 semaphore(%arg5 : memref<!tpu.dma_semaphore, #tpu.memory_space<semaphore_mem>>) src(%arg2 : memref<1x4096xf32, #tpu.memory_space<hbm>>) dst(%arg4 : memref<1x4096xf32, #tpu.memory_space<vmem>>)
    %add3A_3 = arith.constant 0 : i32
    %add3A_4 = arith.addi %mul3A_2, %add3A_3 : i32
    %dma_start3A = arith.constant 2 : i32
    %dma_start3A_5 = arith.constant 0 : i32
    %dma_start3A_6 = arith.constant 0 : i32
    %dma_start3A_7 = tpu.memref_slice %arg3[%add3A_4, %dma_start3A, %dma_start3A_5, %dma_start3A_6] : memref<256x14x1x4096xf32, #tpu.memory_space<hbm>> -> memref<1x1x1x4096xf32, #tpu.memory_space<hbm>>
    %dma_start3A_8 = tpu.memref_squeeze %dma_start3A_7 : memref<1x1x1x4096xf32, #tpu.memory_space<hbm>> -> memref<1x4096xf32, #tpu.memory_space<hbm>>
    %dma_start3A_9 = arith.constant 0 : i32
    %dma_start3A_10 = arith.constant 0 : i32
    %dma_start3A_11 = tpu.memref_slice %arg3[%add3A_4, %dma_start3A, %dma_start3A_9, %dma_start3A_10] : memref<256x14x1x4096xf32, #tpu.memory_space<hbm>> -> memref<1x1x1x4096xf32, #tpu.memory_space<hbm>>
    %dma_start3A_12 = tpu.memref_squeeze %dma_start3A_11 : memref<1x1x1x4096xf32, #tpu.memory_space<hbm>> -> memref<1x4096xf32, #tpu.memory_space<hbm>>
    tpu.enqueue_dma source(%arg4 : memref<1x4096xf32, #tpu.memory_space<vmem>>) target(%dma_start3A_12 : memref<1x4096xf32, #tpu.memory_space<hbm>>) target_semaphore(%arg6 : memref<!tpu.dma_semaphore, #tpu.memory_space<semaphore_mem>>)
    %add3A_13 = arith.constant 1 : i32
    %add3A_14 = arith.addi %mul3A_2, %add3A_13 : i32
    %dma_start3A_15 = arith.constant 2 : i32
    %dma_start3A_16 = arith.constant 0 : i32
    %dma_start3A_17 = arith.constant 0 : i32
    %dma_start3A_18 = tpu.memref_slice %arg3[%add3A_14, %dma_start3A_15, %dma_start3A_16, %dma_start3A_17] : memref<256x14x1x4096xf32, #tpu.memory_space<hbm>> -> memref<1x1x1x4096xf32, #tpu.memory_space<hbm>>
    %dma_start3A_19 = tpu.memref_squeeze %dma_start3A_18 : memref<1x1x1x4096xf32, #tpu.memory_space<hbm>> -> memref<1x4096xf32, #tpu.memory_space<hbm>>
    %dma_start3A_20 = arith.constant 0 : i32
    %dma_start3A_21 = arith.constant 0 : i32
    %dma_start3A_22 = tpu.memref_slice %arg3[%add3A_14, %dma_start3A_15, %dma_start3A_20, %dma_start3A_21] : memref<256x14x1x4096xf32, #tpu.memory_space<hbm>> -> memref<1x1x1x4096xf32, #tpu.memory_space<hbm>>
    %dma_start3A_23 = tpu.memref_squeeze %dma_start3A_22 : memref<1x1x1x4096xf32, #tpu.memory_space<hbm>> -> memref<1x4096xf32, #tpu.memory_space<hbm>>
    tpu.enqueue_dma source(%arg4 : memref<1x4096xf32, #tpu.memory_space<vmem>>) target(%dma_start3A_23 : memref<1x4096xf32, #tpu.memory_space<hbm>>) target_semaphore(%arg6 : memref<!tpu.dma_semaphore, #tpu.memory_space<semaphore_mem>>)
    %add3A_24 = arith.constant 2 : i32
    %add3A_25 = arith.addi %mul3A_2, %add3A_24 : i32
    %dma_start3A_26 = arith.constant 2 : i32
    %dma_start3A_27 = arith.constant 0 : i32
    %dma_start3A_28 = arith.constant 0 : i32
    %dma_start3A_29 = tpu.memref_slice %arg3[%add3A_25, %dma_start3A_26, %dma_start3A_27, %dma_start3A_28] : memref<256x14x1x4096xf32, #tpu.memory_space<hbm>> -> memref<1x1x1x4096xf32, #tpu.memory_space<hbm>>
    %dma_start3A_30 = tpu.memref_squeeze %dma_start3A_29 : memref<1x1x1x4096xf32, #tpu.memory_space<hbm>> -> memref<1x4096xf32, #tpu.memory_space<hbm>>
    %dma_start3A_31 = arith.constant 0 : i32
    %dma_start3A_32 = arith.constant 0 : i32
    %dma_start3A_33 = tpu.memref_slice %arg3[%add3A_25, %dma_start3A_26, %dma_start3A_31, %dma_start3A_32] : memref<256x14x1x4096xf32, #tpu.memory_space<hbm>> -> memref<1x1x1x4096xf32, #tpu.memory_space<hbm>>
    %dma_start3A_34 = tpu.memref_squeeze %dma_start3A_33 : memref<1x1x1x4096xf32, #tpu.memory_space<hbm>> -> memref<1x4096xf32, #tpu.memory_space<hbm>>
    tpu.enqueue_dma source(%arg4 : memref<1x4096xf32, #tpu.memory_space<vmem>>) target(%dma_start3A_34 : memref<1x4096xf32, #tpu.memory_space<hbm>>) target_semaphore(%arg6 : memref<!tpu.dma_semaphore, #tpu.memory_space<semaphore_mem>>)
    %add3A_35 = arith.constant 3 : i32
    %add3A_36 = arith.addi %mul3A_2, %add3A_35 : i32
    %dma_start3A_37 = arith.constant 2 : i32
    %dma_start3A_38 = arith.constant 0 : i32
    %dma_start3A_39 = arith.constant 0 : i32
    %dma_start3A_40 = tpu.memref_slice %arg3[%add3A_36, %dma_start3A_37, %dma_start3A_38, %dma_start3A_39] : memref<256x14x1x4096xf32, #tpu.memory_space<hbm>> -> memref<1x1x1x4096xf32, #tpu.memory_space<hbm>>
    %dma_start3A_41 = tpu.memref_squeeze %dma_start3A_40 : memref<1x1x1x4096xf32, #tpu.memory_space<hbm>> -> memref<1x4096xf32, #tpu.memory_space<hbm>>
    %dma_start3A_42 = arith.constant 0 : i32
    %dma_start3A_43 = arith.constant 0 : i32
    %dma_start3A_44 = tpu.memref_slice %arg3[%add3A_36, %dma_start3A_37, %dma_start3A_42, %dma_start3A_43] : memref<256x14x1x4096xf32, #tpu.memory_space<hbm>> -> memref<1x1x1x4096xf32, #tpu.memory_space<hbm>>
    %dma_start3A_45 = tpu.memref_squeeze %dma_start3A_44 : memref<1x1x1x4096xf32, #tpu.memory_space<hbm>> -> memref<1x4096xf32, #tpu.memory_space<hbm>>
    tpu.enqueue_dma source(%arg4 : memref<1x4096xf32, #tpu.memory_space<vmem>>) target(%dma_start3A_45 : memref<1x4096xf32, #tpu.memory_space<hbm>>) target_semaphore(%arg6 : memref<!tpu.dma_semaphore, #tpu.memory_space<semaphore_mem>>)
    %add3A_46 = arith.constant 4 : i32
    %add3A_47 = arith.addi %mul3A_2, %add3A_46 : i32
    %dma_start3A_48 = arith.constant 2 : i32
    %dma_start3A_49 = arith.constant 0 : i32
    %dma_start3A_50 = arith.constant 0 : i32
    %dma_start3A_51 = tpu.memref_slice %arg3[%add3A_47, %dma_start3A_48, %dma_start3A_49, %dma_start3A_50] : memref<256x14x1x4096xf32, #tpu.memory_space<hbm>> -> memref<1x1x1x4096xf32, #tpu.memory_space<hbm>>
    %dma_start3A_52 = tpu.memref_squeeze %dma_start3A_51 : memref<1x1x1x4096xf32, #tpu.memory_space<hbm>> -> memref<1x4096xf32, #tpu.memory_space<hbm>>
    %dma_start3A_53 = arith.constant 0 : i32
    %dma_start3A_54 = arith.constant 0 : i32
    %dma_start3A_55 = tpu.memref_slice %arg3[%add3A_47, %dma_start3A_48, %dma_start3A_53, %dma_start3A_54] : memref<256x14x1x4096xf32, #tpu.memory_space<hbm>> -> memref<1x1x1x4096xf32, #tpu.memory_space<hbm>>
    %dma_start3A_56 = tpu.memref_squeeze %dma_start3A_55 : memref<1x1x1x4096xf32, #tpu.memory_space<hbm>> -> memref<1x4096xf32, #tpu.memory_space<hbm>>
    tpu.enqueue_dma source(%arg4 : memref<1x4096xf32, #tpu.memory_space<vmem>>) target(%dma_start3A_56 : memref<1x4096xf32, #tpu.memory_space<hbm>>) target_semaphore(%arg6 : memref<!tpu.dma_semaphore, #tpu.memory_space<semaphore_mem>>)
    %add3A_57 = arith.constant 5 : i32
    %add3A_58 = arith.addi %mul3A_2, %add3A_57 : i32
    %dma_start3A_59 = arith.constant 2 : i32
    %dma_start3A_60 = arith.constant 0 : i32
    %dma_start3A_61 = arith.constant 0 : i32
    %dma_start3A_62 = tpu.memref_slice %arg3[%add3A_58, %dma_start3A_59, %dma_start3A_60, %dma_start3A_61] : memref<256x14x1x4096xf32, #tpu.memory_space<hbm>> -> memref<1x1x1x4096xf32, #tpu.memory_space<hbm>>
    %dma_start3A_63 = tpu.memref_squeeze %dma_start3A_62 : memref<1x1x1x4096xf32, #tpu.memory_space<hbm>> -> memref<1x4096xf32, #tpu.memory_space<hbm>>
    %dma_start3A_64 = arith.constant 0 : i32
    %dma_start3A_65 = arith.constant 0 : i32
    %dma_start3A_66 = tpu.memref_slice %arg3[%add3A_58, %dma_start3A_59, %dma_start3A_64, %dma_start3A_65] : memref<256x14x1x4096xf32, #tpu.memory_space<hbm>> -> memref<1x1x1x4096xf32, #tpu.memory_space<hbm>>
    %dma_start3A_67 = tpu.memref_squeeze %dma_start3A_66 : memref<1x1x1x4096xf32, #tpu.memory_space<hbm>> -> memref<1x4096xf32, #tpu.memory_space<hbm>>
    tpu.enqueue_dma source(%arg4 : memref<1x4096xf32, #tpu.memory_space<vmem>>) target(%dma_start3A_67 : memref<1x4096xf32, #tpu.memory_space<hbm>>) target_semaphore(%arg6 : memref<!tpu.dma_semaphore, #tpu.memory_space<semaphore_mem>>)
    %add3A_68 = arith.constant 6 : i32
    %add3A_69 = arith.addi %mul3A_2, %add3A_68 : i32
    %dma_start3A_70 = arith.constant 2 : i32
    %dma_start3A_71 = arith.constant 0 : i32
    %dma_start3A_72 = arith.constant 0 : i32
    %dma_start3A_73 = tpu.memref_slice %arg3[%add3A_69, %dma_start3A_70, %dma_start3A_71, %dma_start3A_72] : memref<256x14x1x4096xf32, #tpu.memory_space<hbm>> -> memref<1x1x1x4096xf32, #tpu.memory_space<hbm>>
    %dma_start3A_74 = tpu.memref_squeeze %dma_start3A_73 : memref<1x1x1x4096xf32, #tpu.memory_space<hbm>> -> memref<1x4096xf32, #tpu.memory_space<hbm>>
    %dma_start3A_75 = arith.constant 0 : i32
    %dma_start3A_76 = arith.constant 0 : i32
    %dma_start3A_77 = tpu.memref_slice %arg3[%add3A_69, %dma_start3A_70, %dma_start3A_75, %dma_start3A_76] : memref<256x14x1x4096xf32, #tpu.memory_space<hbm>> -> memref<1x1x1x4096xf32, #tpu.memory_space<hbm>>
    %dma_start3A_78 = tpu.memref_squeeze %dma_start3A_77 : memref<1x1x1x4096xf32, #tpu.memory_space<hbm>> -> memref<1x4096xf32, #tpu.memory_space<hbm>>
    tpu.enqueue_dma source(%arg4 : memref<1x4096xf32, #tpu.memory_space<vmem>>) target(%dma_start3A_78 : memref<1x4096xf32, #tpu.memory_space<hbm>>) target_semaphore(%arg6 : memref<!tpu.dma_semaphore, #tpu.memory_space<semaphore_mem>>)
    %add3A_79 = arith.constant 7 : i32
    %add3A_80 = arith.addi %mul3A_2, %add3A_79 : i32
    %dma_start3A_81 = arith.constant 2 : i32
    %dma_start3A_82 = arith.constant 0 : i32
    %dma_start3A_83 = arith.constant 0 : i32
    %dma_start3A_84 = tpu.memref_slice %arg3[%add3A_80, %dma_start3A_81, %dma_start3A_82, %dma_start3A_83] : memref<256x14x1x4096xf32, #tpu.memory_space<hbm>> -> memref<1x1x1x4096xf32, #tpu.memory_space<hbm>>
    %dma_start3A_85 = tpu.memref_squeeze %dma_start3A_84 : memref<1x1x1x4096xf32, #tpu.memory_space<hbm>> -> memref<1x4096xf32, #tpu.memory_space<hbm>>
    %dma_start3A_86 = arith.constant 0 : i32
    %dma_start3A_87 = arith.constant 0 : i32
    %dma_start3A_88 = tpu.memref_slice %arg3[%add3A_80, %dma_start3A_81, %dma_start3A_86, %dma_start3A_87] : memref<256x14x1x4096xf32, #tpu.memory_space<hbm>> -> memref<1x1x1x4096xf32, #tpu.memory_space<hbm>>
    %dma_start3A_89 = tpu.memref_squeeze %dma_start3A_88 : memref<1x1x1x4096xf32, #tpu.memory_space<hbm>> -> memref<1x4096xf32, #tpu.memory_space<hbm>>
    tpu.enqueue_dma source(%arg4 : memref<1x4096xf32, #tpu.memory_space<vmem>>) target(%dma_start3A_89 : memref<1x4096xf32, #tpu.memory_space<hbm>>) target_semaphore(%arg6 : memref<!tpu.dma_semaphore, #tpu.memory_space<semaphore_mem>>)
    %dma_wait3A = arith.constant 2 : i32
    %dma_wait3A_90 = arith.constant 0 : i32
    %dma_wait3A_91 = arith.constant 0 : i32
    %dma_wait3A_92 = tpu.memref_slice %arg3[%add3A_4, %dma_wait3A, %dma_wait3A_90, %dma_wait3A_91] : memref<256x14x1x4096xf32, #tpu.memory_space<hbm>> -> memref<1x1x1x4096xf32, #tpu.memory_space<hbm>>
    %dma_wait3A_93 = tpu.memref_squeeze %dma_wait3A_92 : memref<1x1x1x4096xf32, #tpu.memory_space<hbm>> -> memref<1x4096xf32, #tpu.memory_space<hbm>>
    %dma_wait3A_94 = arith.constant 0 : i32
    %dma_wait3A_95 = arith.constant 0 : i32
    %dma_wait3A_96 = tpu.memref_slice %arg3[%add3A_4, %dma_wait3A, %dma_wait3A_94, %dma_wait3A_95] : memref<256x14x1x4096xf32, #tpu.memory_space<hbm>> -> memref<1x1x1x4096xf32, #tpu.memory_space<hbm>>
    %dma_wait3A_97 = tpu.memref_squeeze %dma_wait3A_96 : memref<1x1x1x4096xf32, #tpu.memory_space<hbm>> -> memref<1x4096xf32, #tpu.memory_space<hbm>>
    tpu.wait_dma2 semaphore(%arg6 : memref<!tpu.dma_semaphore, #tpu.memory_space<semaphore_mem>>) src(%arg4 : memref<1x4096xf32, #tpu.memory_space<vmem>>) dst(%dma_wait3A_97 : memref<1x4096xf32, #tpu.memory_space<hbm>>)
    %dma_wait3A_98 = arith.constant 2 : i32
    %dma_wait3A_99 = arith.constant 0 : i32
    %dma_wait3A_100 = arith.constant 0 : i32
    %dma_wait3A_101 = tpu.memref_slice %arg3[%add3A_14, %dma_wait3A_98, %dma_wait3A_99, %dma_wait3A_100] : memref<256x14x1x4096xf32, #tpu.memory_space<hbm>> -> memref<1x1x1x4096xf32, #tpu.memory_space<hbm>>
    %dma_wait3A_102 = tpu.memref_squeeze %dma_wait3A_101 : memref<1x1x1x4096xf32, #tpu.memory_space<hbm>> -> memref<1x4096xf32, #tpu.memory_space<hbm>>
    %dma_wait3A_103 = arith.constant 0 : i32
    %dma_wait3A_104 = arith.constant 0 : i32
    %dma_wait3A_105 = tpu.memref_slice %arg3[%add3A_14, %dma_wait3A_98, %dma_wait3A_103, %dma_wait3A_104] : memref<256x14x1x4096xf32, #tpu.memory_space<hbm>> -> memref<1x1x1x4096xf32, #tpu.memory_space<hbm>>
    %dma_wait3A_106 = tpu.memref_squeeze %dma_wait3A_105 : memref<1x1x1x4096xf32, #tpu.memory_space<hbm>> -> memref<1x4096xf32, #tpu.memory_space<hbm>>
    tpu.wait_dma2 semaphore(%arg6 : memref<!tpu.dma_semaphore, #tpu.memory_space<semaphore_mem>>) src(%arg4 : memref<1x4096xf32, #tpu.memory_space<vmem>>) dst(%dma_wait3A_106 : memref<1x4096xf32, #tpu.memory_space<hbm>>)
    %dma_wait3A_107 = arith.constant 2 : i32
    %dma_wait3A_108 = arith.constant 0 : i32
    %dma_wait3A_109 = arith.constant 0 : i32
    %dma_wait3A_110 = tpu.memref_slice %arg3[%add3A_25, %dma_wait3A_107, %dma_wait3A_108, %dma_wait3A_109] : memref<256x14x1x4096xf32, #tpu.memory_space<hbm>> -> memref<1x1x1x4096xf32, #tpu.memory_space<hbm>>
    %dma_wait3A_111 = tpu.memref_squeeze %dma_wait3A_110 : memref<1x1x1x4096xf32, #tpu.memory_space<hbm>> -> memref<1x4096xf32, #tpu.memory_space<hbm>>
    %dma_wait3A_112 = arith.constant 0 : i32
    %dma_wait3A_113 = arith.constant 0 : i32
    %dma_wait3A_114 = tpu.memref_slice %arg3[%add3A_25, %dma_wait3A_107, %dma_wait3A_112, %dma_wait3A_113] : memref<256x14x1x4096xf32, #tpu.memory_space<hbm>> -> memref<1x1x1x4096xf32, #tpu.memory_space<hbm>>
    %dma_wait3A_115 = tpu.memref_squeeze %dma_wait3A_114 : memref<1x1x1x4096xf32, #tpu.memory_space<hbm>> -> memref<1x4096xf32, #tpu.memory_space<hbm>>
    tpu.wait_dma2 semaphore(%arg6 : memref<!tpu.dma_semaphore, #tpu.memory_space<semaphore_mem>>) src(%arg4 : memref<1x4096xf32, #tpu.memory_space<vmem>>) dst(%dma_wait3A_115 : memref<1x4096xf32, #tpu.memory_space<hbm>>)
    %dma_wait3A_116 = arith.constant 2 : i32
    %dma_wait3A_117 = arith.constant 0 : i32
    %dma_wait3A_118 = arith.constant 0 : i32
    %dma_wait3A_119 = tpu.memref_slice %arg3[%add3A_36, %dma_wait3A_116, %dma_wait3A_117, %dma_wait3A_118] : memref<256x14x1x4096xf32, #tpu.memory_space<hbm>> -> memref<1x1x1x4096xf32, #tpu.memory_space<hbm>>
    %dma_wait3A_120 = tpu.memref_squeeze %dma_wait3A_119 : memref<1x1x1x4096xf32, #tpu.memory_space<hbm>> -> memref<1x4096xf32, #tpu.memory_space<hbm>>
    %dma_wait3A_121 = arith.constant 0 : i32
    %dma_wait3A_122 = arith.constant 0 : i32
    %dma_wait3A_123 = tpu.memref_slice %arg3[%add3A_36, %dma_wait3A_116, %dma_wait3A_121, %dma_wait3A_122] : memref<256x14x1x4096xf32, #tpu.memory_space<hbm>> -> memref<1x1x1x4096xf32, #tpu.memory_space<hbm>>
    %dma_wait3A_124 = tpu.memref_squeeze %dma_wait3A_123 : memref<1x1x1x4096xf32, #tpu.memory_space<hbm>> -> memref<1x4096xf32, #tpu.memory_space<hbm>>
    tpu.wait_dma2 semaphore(%arg6 : memref<!tpu.dma_semaphore, #tpu.memory_space<semaphore_mem>>) src(%arg4 : memref<1x4096xf32, #tpu.memory_space<vmem>>) dst(%dma_wait3A_124 : memref<1x4096xf32, #tpu.memory_space<hbm>>)
    %dma_wait3A_125 = arith.constant 2 : i32
    %dma_wait3A_126 = arith.constant 0 : i32
    %dma_wait3A_127 = arith.constant 0 : i32
    %dma_wait3A_128 = tpu.memref_slice %arg3[%add3A_47, %dma_wait3A_125, %dma_wait3A_126, %dma_wait3A_127] : memref<256x14x1x4096xf32, #tpu.memory_space<hbm>> -> memref<1x1x1x4096xf32, #tpu.memory_space<hbm>>
    %dma_wait3A_129 = tpu.memref_squeeze %dma_wait3A_128 : memref<1x1x1x4096xf32, #tpu.memory_space<hbm>> -> memref<1x4096xf32, #tpu.memory_space<hbm>>
    %dma_wait3A_130 = arith.constant 0 : i32
    %dma_wait3A_131 = arith.constant 0 : i32
    %dma_wait3A_132 = tpu.memref_slice %arg3[%add3A_47, %dma_wait3A_125, %dma_wait3A_130, %dma_wait3A_131] : memref<256x14x1x4096xf32, #tpu.memory_space<hbm>> -> memref<1x1x1x4096xf32, #tpu.memory_space<hbm>>
    %dma_wait3A_133 = tpu.memref_squeeze %dma_wait3A_132 : memref<1x1x1x4096xf32, #tpu.memory_space<hbm>> -> memref<1x4096xf32, #tpu.memory_space<hbm>>
    tpu.wait_dma2 semaphore(%arg6 : memref<!tpu.dma_semaphore, #tpu.memory_space<semaphore_mem>>) src(%arg4 : memref<1x4096xf32, #tpu.memory_space<vmem>>) dst(%dma_wait3A_133 : memref<1x4096xf32, #tpu.memory_space<hbm>>)
    %dma_wait3A_134 = arith.constant 2 : i32
    %dma_wait3A_135 = arith.constant 0 : i32
    %dma_wait3A_136 = arith.constant 0 : i32
    %dma_wait3A_137 = tpu.memref_slice %arg3[%add3A_58, %dma_wait3A_134, %dma_wait3A_135, %dma_wait3A_136] : memref<256x14x1x4096xf32, #tpu.memory_space<hbm>> -> memref<1x1x1x4096xf32, #tpu.memory_space<hbm>>
    %dma_wait3A_138 = tpu.memref_squeeze %dma_wait3A_137 : memref<1x1x1x4096xf32, #tpu.memory_space<hbm>> -> memref<1x4096xf32, #tpu.memory_space<hbm>>
    %dma_wait3A_139 = arith.constant 0 : i32
    %dma_wait3A_140 = arith.constant 0 : i32
    %dma_wait3A_141 = tpu.memref_slice %arg3[%add3A_58, %dma_wait3A_134, %dma_wait3A_139, %dma_wait3A_140] : memref<256x14x1x4096xf32, #tpu.memory_space<hbm>> -> memref<1x1x1x4096xf32, #tpu.memory_space<hbm>>
    %dma_wait3A_142 = tpu.memref_squeeze %dma_wait3A_141 : memref<1x1x1x4096xf32, #tpu.memory_space<hbm>> -> memref<1x4096xf32, #tpu.memory_space<hbm>>
    tpu.wait_dma2 semaphore(%arg6 : memref<!tpu.dma_semaphore, #tpu.memory_space<semaphore_mem>>) src(%arg4 : memref<1x4096xf32, #tpu.memory_space<vmem>>) dst(%dma_wait3A_142 : memref<1x4096xf32, #tpu.memory_space<hbm>>)
    %dma_wait3A_143 = arith.constant 2 : i32
    %dma_wait3A_144 = arith.constant 0 : i32
    %dma_wait3A_145 = arith.constant 0 : i32
    %dma_wait3A_146 = tpu.memref_slice %arg3[%add3A_69, %dma_wait3A_143, %dma_wait3A_144, %dma_wait3A_145] : memref<256x14x1x4096xf32, #tpu.memory_space<hbm>> -> memref<1x1x1x4096xf32, #tpu.memory_space<hbm>>
    %dma_wait3A_147 = tpu.memref_squeeze %dma_wait3A_146 : memref<1x1x1x4096xf32, #tpu.memory_space<hbm>> -> memref<1x4096xf32, #tpu.memory_space<hbm>>
    %dma_wait3A_148 = arith.constant 0 : i32
    %dma_wait3A_149 = arith.constant 0 : i32
    %dma_wait3A_150 = tpu.memref_slice %arg3[%add3A_69, %dma_wait3A_143, %dma_wait3A_148, %dma_wait3A_149] : memref<256x14x1x4096xf32, #tpu.memory_space<hbm>> -> memref<1x1x1x4096xf32, #tpu.memory_space<hbm>>
    %dma_wait3A_151 = tpu.memref_squeeze %dma_wait3A_150 : memref<1x1x1x4096xf32, #tpu.memory_space<hbm>> -> memref<1x4096xf32, #tpu.memory_space<hbm>>
    tpu.wait_dma2 semaphore(%arg6 : memref<!tpu.dma_semaphore, #tpu.memory_space<semaphore_mem>>) src(%arg4 : memref<1x4096xf32, #tpu.memory_space<vmem>>) dst(%dma_wait3A_151 : memref<1x4096xf32, #tpu.memory_space<hbm>>)
    %dma_wait3A_152 = arith.constant 2 : i32
    %dma_wait3A_153 = arith.constant 0 : i32
    %dma_wait3A_154 = arith.constant 0 : i32
    %dma_wait3A_155 = tpu.memref_slice %arg3[%add3A_80, %dma_wait3A_152, %dma_wait3A_153, %dma_wait3A_154] : memref<256x14x1x4096xf32, #tpu.memory_space<hbm>> -> memref<1x1x1x4096xf32, #tpu.memory_space<hbm>>
    %dma_wait3A_156 = tpu.memref_squeeze %dma_wait3A_155 : memref<1x1x1x4096xf32, #tpu.memory_space<hbm>> -> memref<1x4096xf32, #tpu.memory_space<hbm>>
    %dma_wait3A_157 = arith.constant 0 : i32
    %dma_wait3A_158 = arith.constant 0 : i32
    %dma_wait3A_159 = tpu.memref_slice %arg3[%add3A_80, %dma_wait3A_152, %dma_wait3A_157, %dma_wait3A_158] : memref<256x14x1x4096xf32, #tpu.memory_space<hbm>> -> memref<1x1x1x4096xf32, #tpu.memory_space<hbm>>
    %dma_wait3A_160 = tpu.memref_squeeze %dma_wait3A_159 : memref<1x1x1x4096xf32, #tpu.memory_space<hbm>> -> memref<1x4096xf32, #tpu.memory_space<hbm>>
    tpu.wait_dma2 semaphore(%arg6 : memref<!tpu.dma_semaphore, #tpu.memory_space<semaphore_mem>>) src(%arg4 : memref<1x4096xf32, #tpu.memory_space<vmem>>) dst(%dma_wait3A_160 : memref<1x4096xf32, #tpu.memory_space<hbm>>)
    return
  }
}

module attributes {stable_mosaic.version = 14 : i64} {
  func.func @_assemble_body(%arg0: i32, %arg1: i32, %arg2: memref<256x1x1x4096xf32, #tpu.memory_space<vmem>>, %arg3: memref<256x14x1x4096xf32, #tpu.memory_space<any>>, %arg4: memref<256x1x1x4096xf32, #tpu.memory_space<vmem>>) attributes {dimension_semantics = [#tpu.dimension_semantics<arbitrary>, #tpu.dimension_semantics<arbitrary>], iteration_bounds = array<i64: 1, 13>, scalar_prefetch = 0 : i64, scratch_operands = 0 : i64, tpu.core_type = #tpu.core_type<tc>, window_params = [{transform_indices = @transform_0, window_bounds = array<i64: 256, 1, 1, 4096>}, {}, {transform_indices = @transform_2, window_bounds = array<i64: 256, 1, 1, 4096>}]} {
    %get3A = arith.constant 0 : index
    %get3A_0 = arith.constant 0 : index
    %get3A_1 = arith.constant 0 : index
    %get3A_2 = arith.constant 0 : index
    %get3A_3 = vector.load %arg2[%get3A, %get3A_0, %get3A_1, %get3A_2] : memref<256x1x1x4096xf32, #tpu.memory_space<vmem>>, vector<256x1x1x4096xf32>
    %swap3A = arith.constant 0 : index
    %swap3A_4 = arith.constant 0 : index
    %swap3A_5 = arith.constant 0 : index
    %swap3A_6 = arith.constant 0 : index
    %swap3A_7 = vector.load %arg4[%swap3A, %swap3A_4, %swap3A_5, %swap3A_6] : memref<256x1x1x4096xf32, #tpu.memory_space<vmem>>, vector<256x1x1x4096xf32>
    tpu.vector_store %arg4[%swap3A, %swap3A_4, %swap3A_5, %swap3A_6], %get3A_3 {strides = array<i32>} : memref<256x1x1x4096xf32, #tpu.memory_space<vmem>>, vector<256x1x1x4096xf32>,
    return
  }
  func.func @transform_0(%arg0: i32, %arg1: i32) -> (i32, i32, i32, i32) {
    %c0_i32 = arith.constant 0 : i32
    %c0_i32_0 = arith.constant 0 : i32
    %c0_i32_1 = arith.constant 0 : i32
    return %arg0, %arg1, %c0_i32, %c0_i32_0 : i32, i32, i32, i32
  }
  func.func @transform_2(%arg0: i32, %arg1: i32) -> (i32, i32, i32, i32) {
    %lt3A = arith.constant 2 : i32
    %lt3A_0 = arith.cmpi slt, %arg1, %lt3A : i32
    %add3A = arith.constant 1 : i32
    %add3A_1 = arith.addi %arg1, %add3A : i32
    %select_n3A = arith.select %lt3A_0, %arg1, %add3A_1 : i32
    %c0_i32 = arith.constant 0 : i32
    %c0_i32_2 = arith.constant 0 : i32
    %c0_i32_3 = arith.constant 0 : i32
    return %arg0, %select_n3A, %c0_i32, %c0_i32_2 : i32, i32, i32, i32
  }
}

</mosaic_0001>

<sc_bundles>
// kernel: kernel.4.cloned.1.call-start
scs
__scs_entry_jumppad:
0x0: {  	(pc) =	sbr.rel $0x88, $3  }
0x1: {  	(tag) =	ssettag $0x0;
	lr =	simm.s32 $0x1  }
0x2: {  	[smem:$0x3F9F] =	sst lr;
	_ =	strace $0xD0000000  }
0x3: {  	_ = 	snop  }
0x4: {  	_ = 	snop  }
0x5: {  	_ = 	snop  }
0x6: {  	_ = 	snop  }
0x7: {  	_ = 	snop  }
__scs_overlays_trampoline_lowered:
0x8: {  	[smem:$0x3FAE] =	sst s0  }
0x9: {  	[smem:$0x3FAF] =	sst s1  }
0xa: {  	[smem:$0x3FB0] =	sst s2  }
0xb: {  	[smem:$0x3FB1] =	sst s3  }
0xc: {  	[smem:$0x3FB2] =	sst s4  }
0xd: {  	[smem:$0x3FB3] =	sst s5  }
0xe: {  	[smem:$0x3FB4] =	sst s6  }
0xf: {  	[smem:$0x3FB5] =	sst s7  }
0x10: {  	[smem:$0x3FB6] =	sst s8  }
0x11: {  	[smem:$0x3FB7] =	sst s9;
	s0 =	simm.s32 @!p0 $0x0  }
0x12: {  	s1 =	sld [smem:$0x3F9D];
	s0 =	simm.s32 @p0 $0x1  }
0x13: {  	[smem:$0x3FB8] =	sst s0;
	s0 =	simm.s32 @!p1 $0x0  }
0x14: {  	s2 =	sld [smem:$0x3F9C];
	s0 =	simm.s32 @p1 $0x1  }
0x15: {  	[smem:$0x3FB9] =	sst s0;
	s0 =	simm.s32 @!p2 $0x0  }
0x16: {  	s3 =	sld [smem:$0x3FDB];
	s0 =	simm.s32 @p2 $0x1  }
0x17: {  	s4 =	simm.s32 $0x1BF5;
	[smem:$0x3FBB] =	sst s0  }
0x18: {  	s0 =	sld [smem:$0x3F9E];
	_ =	swait.ge [sflag:s4], $0x0  }
0x19: {  	s7 =	sld [smem:$0x3F9F]  }
0x1a: {  	s8 =	sadd.s32 $0xFFFFE003, lr  }
0x1b: {  	s9 =	sadd.s32 $0xFFFFFEF7, lr;
	s5 =	simm.s32 $0xFFFFFFFF;
	p2 =	slt.u32 s8, $0xFFFFF086  }
0x1c: {  	p1 =	slt.u32 s9, $0xF7A;
	s5 =	simm.s32 @!p2 $0x0  }
0x1d: {  	s5 =	simm.s32 @p1 $0x1;
	p0 =	seq.s32 s7, s2  }
0x1e: {  	s7 =	smul.u32 @!p0 $0xF7A, s2;
	p2 =	seq.s32 @!p0 s5, $0x0  }
0x1f: {  	s9 =	smul.u32 $0xF7A, s1;
	s8 =	simm.s32 @!p0 $0x1BF5;
	p2 =	por !p2, p0  }
0x20: {  	[sflag:s8] =	ssyncset.s32 @!p0 $0xFFFFF086;
	s6 =	sadd.s32 @!p0 s3, s7;
	s7 =	simm.s32 @!p0 $0x108  }
0x21: {  	s3 =	sadd.s32 s3, s9;
	s6 =	sadd.s32 @!p0 $0x88, s6;
	s7 =	simm.s32 @p2 $0x1082  }
0x22: {  	[simem:s7], [sflag:s8] =	dma.local @!p0 [hbm:s6], $0xF7A  }
0x23: {  	s9 =	sor.u32 $0xD0000000, s2;
	s6 =	simm.s32 $0x108;
	_ =	swait.ge @!p0 [sflag:s8], $0x0  }
0x24: {  	s3 =	sadd.s32 $0x88, s3;
	s6 =	simm.s32 @!p1 $0x1082;
	[sflag:s4] =	ssyncset.s32 $0xFFFFF086  }
0x25: {  	[simem:s6], [sflag:s4] =	dma.local [hbm:s3], $0xF7A  }
0x26: {  	[smem:$0x3F9F] =	sst s1;
	(tag) =	ssettag s2;
	_ =	strace s9  }
0x27: {  	s1 =	sld [smem:$0x3FAF]  }
0x28: {  	s2 =	sld [smem:$0x3FB0]  }
0x29: {  	s4 =	sld [smem:$0x3FB2]  }
0x2a: {  	p0 =	seq.s32 s5, $0x0;
	s5 =	sld [smem:$0x3FB3]  }
0x2b: {  	s6 =	sld [smem:$0x3FB4]  }
0x2c: {  	s7 =	sld [smem:$0x3FB5]  }
0x2d: {  	s3 =	simm.s32 $0x108;
	s8 =	sld [smem:$0x3FB6]  }
0x2e: {  	s3 =	simm.s32 @!p0 $0x1082;
	s9 =	sld [smem:$0x3FB7]  }
0x2f: {  	lr =	sadd.s32 s0, s3;
	s0 =	sld [smem:$0x3FAE]  }
0x30: {  	s3 =	sld [smem:$0x3FB1]  }
0x31: {  	[smem:$0x3FBA] =	sst s10  }
0x32: {  	s10 =	sld [smem:$0x3FB8];
	_ =	sdelay $0x3  }
0x33: {  	p0 =	seq.s32 s10, $0x1;
	s10 =	sld [smem:$0x3FBA];
	_ =	sdelay $0x3  }
0x34: {  	[smem:$0x3FBA] =	sst s10  }
0x35: {  	s10 =	sld [smem:$0x3FB9];
	_ =	sdelay $0x3  }
0x36: {  	p1 =	seq.s32 s10, $0x1;
	s10 =	sld [smem:$0x3FBA];
	_ =	sdelay $0x3  }
0x37: {  	[smem:$0x3FBA] =	sst s10  }
0x38: {  	s10 =	sld [smem:$0x3FBB]  }
0x39: {  	_ = 	snop;
	(pc) =	sbr.ind lr, $3  }
0x3a: {  	_ = 	snop  }
0x3b: {  	_ = 	snop  }
0x3c: {  	p2 =	seq.s32 s10, $0x1;
	s10 =	sld [smem:$0x3FBA]  }
0x3d: {  	_ =	shalt  }
0x3e: {  	_ =	shalt  }
0x3f: {  	_ =	shalt  }
0x40: {  	_ =	shalt  }
0x41: {  	_ =	shalt  }
0x42: {  	_ =	shalt  }
0x43: {  	_ =	shalt  }
0x44: {  	_ =	shalt  }
0x45: {  	_ =	shalt  }
0x46: {  	_ =	shalt  }
0x47: {  	_ =	shalt  }
0x48: {  	_ =	shalt  }
0x49: {  	_ =	shalt  }
0x4a: {  	_ =	shalt  }
0x4b: {  	_ =	shalt  }
0x4c: {  	_ =	shalt  }
0x4d: {  	_ =	shalt  }
0x4e: {  	_ =	shalt  }
0x4f: {  	_ =	shalt  }
0x50: {  	_ =	shalt  }
0x51: {  	_ =	shalt  }
0x52: {  	_ =	shalt  }
0x53: {  	_ =	shalt  }
0x54: {  	_ =	shalt  }
0x55: {  	_ =	shalt  }
0x56: {  	_ =	shalt  }
0x57: {  	_ =	shalt  }
0x58: {  	_ =	shalt  }
0x59: {  	_ =	shalt  }
0x5a: {  	_ =	shalt  }
0x5b: {  	_ =	shalt  }
0x5c: {  	_ =	shalt  }
0x5d: {  	_ =	shalt  }
0x5e: {  	_ =	shalt  }
0x5f: {  	_ =	shalt  }
0x60: {  	_ =	shalt  }
0x61: {  	_ =	shalt  }
0x62: {  	_ =	shalt  }
0x63: {  	_ =	shalt  }
0x64: {  	_ =	shalt  }
0x65: {  	_ =	shalt  }
0x66: {  	_ =	shalt  }
0x67: {  	_ =	shalt  }
0x68: {  	_ =	shalt  }
0x69: {  	_ =	shalt  }
0x6a: {  	_ =	shalt  }
0x6b: {  	_ =	shalt  }
0x6c: {  	_ =	shalt  }
0x6d: {  	_ =	shalt  }
0x6e: {  	_ =	shalt  }
0x6f: {  	_ =	shalt  }
0x70: {  	_ =	shalt  }
0x71: {  	_ =	shalt  }
0x72: {  	_ =	shalt  }
0x73: {  	_ =	shalt  }
0x74: {  	_ =	shalt  }
0x75: {  	_ =	shalt  }
0x76: {  	_ =	shalt  }
0x77: {  	_ =	shalt  }
0x78: {  	_ =	shalt  }
0x79: {  	_ =	shalt  }
0x7a: {  	_ =	shalt  }
0x7b: {  	_ =	shalt  }
0x7c: {  	_ =	shalt  }
0x7d: {  	_ =	shalt  }
0x7e: {  	_ =	shalt  }
0x7f: {  	_ =	shalt  }
0x80: {  	_ =	shalt  }
0x81: {  	_ =	shalt  }
0x82: {  	_ =	shalt  }
0x83: {  	_ =	shalt  }
0x84: {  	_ =	shalt  }
0x85: {  	_ =	shalt  }
0x86: {  	_ =	shalt  }
0x87: {  	_ =	shalt  }
.Lfunc_end0:
.L_simem_size_0:
called_computation_lowered:
.L_overlay_start_0:
0x88: {  	s2 =	sld [smem:$0x3FD9]  }
0x89: {  	s3 =	sld [smem:$0x3FFE];
	_ =	sdelay $0x1  }
0x8a: {  	s1 =	srdreg.scid  }
0x8b: {  	s0 =	sand.u32 $0x1, s1  }
0x8c: {  	s18 =	sshll.u32 s0, $0xA;
	s2 =	sadd.s32 s3, s2  }
0x8d: {  	s2 =	sadd.s32 s2, s18  }
0x8e: {  	[smem:$0x3FC6] =	sst s2  }
0x8f: {  	_ = 	snop  }
0x90: {  	s2 =	sld [smem:$0x3FC8]  }
0x91: {  	s19 =	sld [smem:$0x3FD0];
	(tm) =	ssettm $0x1  }
0x92: {  	s4 =	sld [smem:$0x3FFB];
	_ =	sdelay $0x3  }
0x93: {  	_ =	strace s4  }
0x94: {  	s4 =	sld [smem:$0x3FFC];
	_ =	sdelay $0x3  }
0x95: {  	_ =	strace s4  }
0x96: {  	s4 =	sld [smem:$0x3FFD];
	_ =	sdelay $0x3  }
0x97: {  	_ =	strace s4  }
0x98: {  	_ =	strace $0x8FFFFFFF  }
0x99: {  	s20 =	sld [smem:$0x3FDB];
	_ =	sdelay $0x1  }
0x9a: {  	s5 =	simm.s32 $_scs_section_size  }
0x9b: {  	s6 =	simm.s32 $_size__tile_overlayer_lowered;
	s7 =	simm.s32 $_tile_overlayer_lowered  }
0x9c: {  	s23 =	simm.s32 $0x1BFF;
	s22 =	sshll.u32 s7, $0x1;
	s4 =	sadd.s32 s5, s20  }
0x9d: {  	s8 =	simm.s32 $0x0;
	s21 =	sshll.u32 s6, $0x1;
	s6 =	sadd.s32 s22, s4  }
0x9e: {  	[timem:s8], [sflag:s23] =	dma.local [hbm:s6], s21  }
0x9f: {  	_ =	swait.ge [sflag:s23], s21  }
0xa0: {  	s5 =	ssub.s32 $0x0, s21;
	[sflag:s23] =	ssyncset.done $0x0  }
0xa1: {  	[sflag:s23] =	ssyncadd.s32 s5;
	_ =	sdelay $0x1  }
0xa2: {  	s24 =	simm.s32 $0x1B8B  }
0xa3: {  	_ =	swait.ge [sflag:s24], $0x1  }
0xa4: {  	[sflag:s24] =	ssyncset.done $0x0  }
0xa5: {  	s25 =	simm.s32 $0x1B8E;
	[sflag:s24] =	ssyncadd.s32 $0xFFFFFFFF  }
0xa6: {  	s26 =	simm.s32 $execute0_lowered;
	[smem:$0x3FD2] =	sst s25  }
0xa7: {  	s5 =	sshll.u32 s26, $0x1;
	_ =	strace $0x80000046;
	[dreg:$0x1] =	wrdreg $0xFFFFFFFF  }
0xa8: {  	s28 =	simm.s32 $_size_execute0_lowered;
	s4 =	sadd.s32 s4, s5;
	[dreg:$0x0] =	wrdreg $0x0  }
0xa9: {  	s5 =	sshll.u32 s28, $0x1;
	[dreg:$0x2] =	wrdreg s4  }
0xaa: {  	[dreg:$0x3] =	wrdreg s5  }
0xab: {  	[dreg:$0x4] =	wrdreg $0xC0  }
0xac: {  	_ =	task [dreg:s8], $0x5FFFF  }
0xad: {  	[dreg:$0x1] =	wrdreg $0xFFFFFFFF  }
0xae: {  	[dreg:$0x0] =	wrdreg $0x60  }
0xaf: {  	[dreg:$0x2] =	wrdreg s2  }
0xb0: {  	[dreg:$0x3] =	wrdreg s19  }
0xb1: {  	[dreg:$0x4] =	wrdreg $0x9  }
0xb2: {  	_ =	task.clear_ibuf [dreg:s8], $0x5FFFF;
	_ =	strace $0x90000046  }
0xb3: {  	s29 =	simm.s32 $0x9;
	_ =	strace $0x80000048  }
0xb4: {  	_ =	swait.ge [sflag:s29], $0x1  }
0xb5: {  	[sflag:s29] =	ssyncadd.s32 $0xFFFFFFFF  }
0xb6: {  	_ =	strace $0x90000048  }
0xb7: {  	_ =	sfence  }
0xb8: {  	s30 =	sld [smem:$0x0];
	_ =	sdelay $0x2  }
0xb9: {  	s31 =	sshll.u32 s1, $0xD;
	s1 =	sshrl.u32 s1, $0x2  }
0xba: {  	s3 =	sand.u32 $0x4000, s31;
	s1 =	sadd.s32 s1, s30  }
0xbb: {  	s0 =	sor.u32 s3, s0;
	s1 =	sshll.u32 s1, $0x11  }
0xbc: {  	s0 =	sor.u32 s1, s0  }
0xbd: {  	s0 =	sadd.s32 $0x8F2B, s0  }
0xbe: {  	[sflag:s0] =	ssyncadd.remote.s32 $0x1  }
0xbf: {  	_ =	sfence.sel $0xFFFF  }
0xc0: {  	[dreg:$0x0] =	wrdreg $0xFFFFFFFF;
	(pc) =	sbr.abs _section_cstart, $3  }
0xc1: {  	[dreg:$0x1] =	wrdreg $0xFFFFFFFF  }
0xc2: {  	_ =	task.clear_ibuf [dreg:s8], $0x2FFFF;
	_ =	strace $0x9FFFFFFF  }
0xc3: {  	(tm) =	ssettm $0x7FFFFFFF  }
tec
execute0_lowered:
.L_overlay_start_1:
0x0: {  	(tag) =	ssettag $0x1  }
0x1: {  	s1 =	srdreg.scid  }
0x2: {  	s2 =	rddreg [dreg:$0x0];
	s0 =	stileid.u32  }
0x3: {  	s6 =	rddreg [dreg:$0x1];
	s3 =	simm.s32 $0x0;
	s14 =	sand.u32 $0x1, s1  }
0x4: {  	s4 =	sshll.u32 s0, $0x4;
	[smem:$0x7FF] =	sst s3;
	s5 =	sshll.u32 s14, $0x3  }
0x5: {  	s1 =	rddreg [dreg:$0x2];
	_ =	strace $0x80000047;
	s4 =	sor.u32 s5, s4  }
0x6: {  	[tilespmem:s3], [sflag:$0x1] =	stream.linear.gather [hbm4b:s2+s3], $0x1000, $0x38;
	[tilespmem:$0x1000] =	vst v63  }
0x7: {  	s5 =	smul.u32 $0x1C00, s4  }
0x8: {  	s7 =	smul.u32 $0xE000, s4;
	s4 =	simm.s32 $0x1  }
0x9: {  	_ =	swait.ge [sflag:s4], $0x1000  }
0xa: {  	s5 =	sadd.s32 s5, s6;
	s7 =	sshrl.u32 s7, $0x3;
	[sflag:s4] =	ssyncset.done $0x0  }
0xb: {  	s5 =	sadd.s32 $0x400, s5;
	s12 =	sadd.s32 s6, s7;
	[sflag:s4] =	ssyncadd.s32 $0xFFFFF000  }
0xc: {  	[hbm4b:s5+s3] =	stream.linear.scatter [tilespmem:s3], [sflag:$0x2], $0x1000, $0x38;
	[tilespmem:$0x1000] =	vst v63  }
0xd: {  	s6 =	sadd.s32 $0x2000, s12  }
0xe: {  	[hbm4b:s6+s3] =	stream.linear.scatter [tilespmem:s3], [sflag:$0x2], $0x1000, $0x38;
	[tilespmem:$0x1000] =	vst v63  }
0xf: {  	s7 =	sadd.s32 $0x3C00, s12  }
0x10: {  	[hbm4b:s7+s3] =	stream.linear.scatter [tilespmem:s3], [sflag:$0x2], $0x1000, $0x38;
	[tilespmem:$0x1000] =	vst v63  }
0x11: {  	s8 =	sadd.s32 $0x5800, s12  }
0x12: {  	[hbm4b:s8+s3] =	stream.linear.scatter [tilespmem:s3], [sflag:$0x2], $0x1000, $0x38;
	[tilespmem:$0x1000] =	vst v63  }
0x13: {  	s9 =	sadd.s32 $0x7400, s12  }
0x14: {  	[hbm4b:s9+s3] =	stream.linear.scatter [tilespmem:s3], [sflag:$0x2], $0x1000, $0x38;
	[tilespmem:$0x1000] =	vst v63  }
0x15: {  	s10 =	sadd.s32 $0x9000, s12  }
0x16: {  	[hbm4b:s10+s3] =	stream.linear.scatter [tilespmem:s3], [sflag:$0x2], $0x1000, $0x38;
	[tilespmem:$0x1000] =	vst v63  }
0x17: {  	s11 =	sadd.s32 $0xAC00, s12  }
0x18: {  	[hbm4b:s11+s3] =	stream.linear.scatter [tilespmem:s3], [sflag:$0x2], $0x1000, $0x38;
	[tilespmem:$0x1000] =	vst v63  }
0x19: {  	s13 =	sadd.s32 $0xC800, s12;
	s12 =	simm.s32 $0x2  }
0x1a: {  	[hbm4b:s13+s3] =	stream.linear.scatter [tilespmem:s3], [sflag:$0x2], $0x1000, $0x38;
	[tilespmem:$0x1000] =	vst v63  }
0x1b: {  	_ =	swait.ge [sflag:s12], $0x1000  }
0x1c: {  	[sflag:s12] =	ssyncset.done $0x0  }
0x1d: {  	[sflag:s12] =	ssyncadd.s32 $0xFFFFF000  }
0x1e: {  	_ =	swait.ge [sflag:s12], $0x1000  }
0x1f: {  	[sflag:s12] =	ssyncset.done $0x0  }
0x20: {  	[sflag:s12] =	ssyncadd.s32 $0xFFFFF000  }
0x21: {  	_ =	swait.ge [sflag:s12], $0x1000  }
0x22: {  	[sflag:s12] =	ssyncset.done $0x0  }
0x23: {  	[sflag:s12] =	ssyncadd.s32 $0xFFFFF000  }
0x24: {  	_ =	swait.ge [sflag:s12], $0x1000  }
0x25: {  	[sflag:s12] =	ssyncset.done $0x0  }
0x26: {  	[sflag:s12] =	ssyncadd.s32 $0xFFFFF000  }
0x27: {  	_ =	swait.ge [sflag:s12], $0x1000  }
0x28: {  	s14 =	ssub.s32 $0x2, s14;
	[sflag:s12] =	ssyncset.done $0x0  }
0x29: {  	s15 =	sshrl.u32 s14, $0x1;
	[sflag:s12] =	ssyncadd.s32 $0xFFFFF000  }
0x2a: {  	s14 =	ssub.s32 s14, s15;
	_ =	swait.ge [sflag:s12], $0x1000  }
0x2b: {  	s14 =	smax.u32 s14, $0x1;
	[sflag:s12] =	ssyncset.done $0x0  }
0x2c: {  	p0 =	sne.s32 s14, $0x1;
	[sflag:s12] =	ssyncadd.s32 $0xFFFFF000  }
.Ltmp0:
0x2d: {  	_ =	swait.ge [sflag:s12], $0x1000;
	(pc) =	sbr.rel @!p0 .LBB2_2-.Ltmp0, $4  }
0x2e: {  	[sflag:s12] =	ssyncset.done $0x0  }
0x2f: {  	[sflag:s12] =	ssyncadd.s32 $0xFFFFF000  }
0x30: {  	_ =	swait.ge [sflag:s12], $0x1000  }
0x31: {  	s14 =	sadd.s32 $0xFFFFFFFF, s14;
	[sflag:s12] =	ssyncset.done $0x0  }
.LBB2_1:
0x32: {  	p0 =	sne.s32 s14, $0x1;
	s14 =	sadd.s32 $0xFFFFFFFF, s14;
	[sflag:s12] =	ssyncadd.s32 $0xFFFFF000  }
0x33: {  	[tilespmem:s3], [sflag:$0x1] =	stream.linear.gather [hbm4b:s2+s3], $0x1000, $0x38;
	[tilespmem:$0x1000] =	vst v63  }
0x34: {  	_ =	swait.ge [sflag:s4], $0x1000  }
0x35: {  	[sflag:s4] =	ssyncset.done $0x0  }
0x36: {  	[sflag:s4] =	ssyncadd.s32 $0xFFFFF000  }
0x37: {  	[hbm4b:s5+s3] =	stream.linear.scatter [tilespmem:s3], [sflag:$0x2], $0x1000, $0x38;
	[tilespmem:$0x1000] =	vst v63  }
0x38: {  	_ = 	snop  }
0x39: {  	[hbm4b:s6+s3] =	stream.linear.scatter [tilespmem:s3], [sflag:$0x2], $0x1000, $0x38;
	[tilespmem:$0x1000] =	vst v63  }
0x3a: {  	_ = 	snop  }
0x3b: {  	[hbm4b:s7+s3] =	stream.linear.scatter [tilespmem:s3], [sflag:$0x2], $0x1000, $0x38;
	[tilespmem:$0x1000] =	vst v63  }
0x3c: {  	_ = 	snop  }
0x3d: {  	[hbm4b:s8+s3] =	stream.linear.scatter [tilespmem:s3], [sflag:$0x2], $0x1000, $0x38;
	[tilespmem:$0x1000] =	vst v63  }
0x3e: {  	_ = 	snop  }
0x3f: {  	[hbm4b:s9+s3] =	stream.linear.scatter [tilespmem:s3], [sflag:$0x2], $0x1000, $0x38;
	[tilespmem:$0x1000] =	vst v63  }
0x40: {  	_ = 	snop  }
0x41: {  	[hbm4b:s10+s3] =	stream.linear.scatter [tilespmem:s3], [sflag:$0x2], $0x1000, $0x38;
	[tilespmem:$0x1000] =	vst v63  }
0x42: {  	_ = 	snop  }
0x43: {  	[hbm4b:s11+s3] =	stream.linear.scatter [tilespmem:s3], [sflag:$0x2], $0x1000, $0x38;
	[tilespmem:$0x1000] =	vst v63  }
0x44: {  	_ = 	snop  }
0x45: {  	[hbm4b:s13+s3] =	stream.linear.scatter [tilespmem:s3], [sflag:$0x2], $0x1000, $0x38;
	[tilespmem:$0x1000] =	vst v63  }
0x46: {  	_ =	swait.ge [sflag:s12], $0x1000  }
0x47: {  	[sflag:s12] =	ssyncset.done $0x0  }
0x48: {  	[sflag:s12] =	ssyncadd.s32 $0xFFFFF000  }
0x49: {  	_ =	swait.ge [sflag:s12], $0x1000  }
0x4a: {  	[sflag:s12] =	ssyncset.done $0x0  }
0x4b: {  	[sflag:s12] =	ssyncadd.s32 $0xFFFFF000  }
0x4c: {  	_ =	swait.ge [sflag:s12], $0x1000  }
0x4d: {  	[sflag:s12] =	ssyncset.done $0x0  }
0x4e: {  	[sflag:s12] =	ssyncadd.s32 $0xFFFFF000  }
0x4f: {  	_ =	swait.ge [sflag:s12], $0x1000  }
0x50: {  	[sflag:s12] =	ssyncset.done $0x0  }
0x51: {  	[sflag:s12] =	ssyncadd.s32 $0xFFFFF000  }
0x52: {  	_ =	swait.ge [sflag:s12], $0x1000  }
0x53: {  	[sflag:s12] =	ssyncset.done $0x0  }
0x54: {  	[sflag:s12] =	ssyncadd.s32 $0xFFFFF000  }
0x55: {  	_ =	swait.ge [sflag:s12], $0x1000  }
0x56: {  	[sflag:s12] =	ssyncset.done $0x0  }
0x57: {  	[sflag:s12] =	ssyncadd.s32 $0xFFFFF000  }
.Ltmp1:
0x58: {  	_ =	swait.ge [sflag:s12], $0x1000;
	(pc) =	sbr.rel @p0 .LBB2_1-.Ltmp1, $4  }
0x59: {  	[sflag:s12] =	ssyncset.done $0x0  }
0x5a: {  	[sflag:s12] =	ssyncadd.s32 $0xFFFFF000  }
0x5b: {  	_ =	swait.ge [sflag:s12], $0x1000  }
0x5c: {  	[sflag:s12] =	ssyncset.done $0x0  }
.LBB2_2:
0x5d: {  	[sflag:s12] =	ssyncadd.s32 $0xFFFFF000  }
0x5e: {  	_ =	sfence.sel $0x180000  }
0x5f: {  	[bflag:$0x0] =	sbarrier.arrive $0xFFFF  }
0x60: {  	p0 =	sne.s32 s0, $0x0;
	_ =	strace $0x90000047  }
0x61: {  	s0 =	sadd.s32 @!p0 $0x100000, s1;
	[bflag:$0x2] =	sbarrier.arrive $0xFFFF  }
0x62: {  	[sflag:s0] =	ssyncadd.tile.s32 @!p0 $0x1;
	_ =	shalt  }
.Lfunc_end2:
_tile_overlayer_lowered:
.L_overlay_start_2:
0x63: {  	(tag) =	ssettag $0x2  }
0x64: {  	s0 =	rddreg [dreg:$0x0];
	s2 =	stileid.u32  }
0x65: {  	s1 =	rddreg [dreg:$0x1];
	p0 =	sne.s32 s2, $0x0  }
0x66: {  	s3 =	rddreg [dreg:$0x2];
	[bflag:$0x3] =	sbarrier.arrive $0xFFFF;
	s2 =	simm.s32 @!p0 $0x1C03  }
0x67: {  	[timem:s3], [sflag:s2] =	dma.local @!p0 [hbm:s0], s1  }
0x68: {  	s0 =	simm.s32 @!p0 $0x3  }
0x69: {  	_ =	swait.ge @!p0 [sflag:s0], s1  }
0x6a: {  	s1 =	ssub.s32 @!p0 $0x0, s1;
	[sflag:s0] =	ssyncset.done @!p0 $0x0  }
0x6b: {  	[sflag:s0] =	ssyncadd.s32 @!p0 s1  }
0x6c: {  	[bflag:$0x3] =	sbarrier.arrive $0xFFFF  }
0x6d: {  	_ =	shalt  }

</sc_bundles>
